<compile_context>
chip_gen: v7x
topology: tpu7x:2x2x1
jax: 0.10.2.dev20260603
libtpu: 0.0.44.dev20260713+nightly
codegen_flags: <defaults>
</compile_context>

<pallas_src>
import functools

import jax
import jax.numpy as jnp
from jax import lax
from jax.experimental import pallas as pl
from jax.experimental.pallas import tpu as pltpu
from jax.experimental.pallas import tpu_sc as plsc

LN_EPS = 1e-5


def _ln_table_body(tab_ref, w_ref, b_ref, out_ref):
    x = tab_ref[...]
    mean = jnp.mean(x, axis=1, keepdims=True)
    var = jnp.mean((x - mean) ** 2, axis=1, keepdims=True)
    normed = (x - mean) / jnp.sqrt(var + LN_EPS)
    out_ref[...] = normed * w_ref[...] + b_ref[...]


def _ln_table(pos_table, ln_weight, ln_bias):
    v, d = pos_table.shape
    return pl.pallas_call(
        _ln_table_body,
        out_shape=jax.ShapeDtypeStruct((v, d), jnp.float32),
    )(pos_table, ln_weight.reshape(1, d), ln_bias.reshape(1, d))


_CHUNK = 128


def _make_gather(n_rows, d, v):
    info = plsc.get_sparse_core_info()
    nw = info.num_cores * info.num_subcores
    assert n_rows % (nw * _CHUNK) == 0
    cw = n_rows // (nw * _CHUNK)
    assert cw % 4 == 0
    mesh = plsc.VectorSubcoreMesh(core_axis_name="c", subcore_axis_name="s")

    @functools.partial(
        pl.kernel,
        mesh=mesh,
        out_type=jax.ShapeDtypeStruct((n_rows, d), jnp.float32),
        scratch_types=(
            [pltpu.VMEM((cw, _CHUNK), jnp.int32),
             pltpu.VMEM_SHARED((v, d), jnp.float32)]
            + [pltpu.VMEM((_CHUNK, d), jnp.float32)] * 4
            + [pltpu.SemaphoreType.DMA] * 8
        ),
    )
    def gather(tab_hbm, idx_hbm, out_hbm, idx_v, tab_sh, r0, r1, r2, r3,
               g0, g1, g2, g3, w0, w1, w2, w3):
        sid = lax.axis_index("s")
        wid = sid * info.num_cores + lax.axis_index("c")
        base = wid * cw

        @pl.when(sid == 0)
        def _():
            pltpu.sync_copy(tab_hbm, tab_sh)

        pltpu.sync_copy(idx_hbm.at[pl.ds(base, cw)], idx_v)
        plsc.subcore_barrier()

        bufs = ((r0, g0, w0), (r1, g1, w1), (r2, g2, w2), (r3, g3, w3))

        def start_gather(j, b):
            rows, gsem, _ = bufs[b]
            pltpu.async_copy(tab_sh.at[idx_v.at[j]], rows, gsem)

        def wait_gather(b):
            rows, gsem, _ = bufs[b]
            pltpu.make_async_copy(tab_hbm.at[pl.ds(0, _CHUNK)], rows,
                                  gsem).wait()

        def start_write(j, b):
            rows, _, wsem = bufs[b]
            pltpu.async_copy(rows, out_hbm.at[pl.ds((base + j) * _CHUNK,
                                                    _CHUNK)], wsem)

        def wait_write(b):
            rows, _, wsem = bufs[b]
            pltpu.make_async_copy(rows, out_hbm.at[pl.ds(0, _CHUNK)],
                                  wsem).wait()

        start_gather(0, 0)
        start_gather(1, 1)
        start_gather(2, 2)

        def body(g, _):
            for b in range(4):
                j = 4 * g + b
                wait_gather(b)
                start_write(j, b)
                bn = (b + 3) % 4

                @pl.when(j + 3 < cw)
                def _():
                    @pl.when(j >= 1)
                    def _():
                        wait_write(bn)
                    start_gather(j + 3, bn)
            return 0

        lax.fori_loop(0, cw // 4, body, 0)
        for b in range(4):
            wait_write(b)

    return gather


def kernel(input_ids, position_ids, pos_table, ln_weight, ln_bias):
    b, s = position_ids.shape
    v, d = pos_table.shape
    n = b * s
    normed = _ln_table(pos_table, ln_weight, ln_bias)
    idx = position_ids.reshape(n // _CHUNK, _CHUNK).astype(jnp.int32)
    out = _make_gather(n, d, v)(normed, idx)
    return out.reshape(b, s, d)

# --- scband reference (transcript-rebuilt; emitter-appended) ---
"""Pipeline reference for scband-scoring-embedding-61993557950736 (READ-ONLY COPY).

The authoritative reference and input builder live on the scoring server;
editing this copy changes nothing except your own understanding.
"""

import jax, jax.numpy as jnp
import numpy as np

HIDDEN_DIM = 128
POSITION_SIZE = 514
EMBEDDING_NORM_SCALAR = 1.0
LN_EPS = 1e-5

def setup_inputs(seed: int = 0) -> dict:
    key = jax.random.key(seed)
    k1, k2, k3 = jax.random.split(key, 3)
    input_ids = jax.random.randint(k1, (4096, 200), 0, 1000, dtype=jnp.int64 if jax.config.jax_enable_x64 else jnp.int32)
    position_ids = jax.random.randint(k2, (4096, 200), 0, POSITION_SIZE, dtype=jnp.int64 if jax.config.jax_enable_x64 else jnp.int32)
    pos_table = jax.random.normal(k3, (POSITION_SIZE, HIDDEN_DIM), dtype=jnp.float32)
    ln_weight = jnp.ones((HIDDEN_DIM,), dtype=jnp.float32)
    ln_bias = jnp.zeros((HIDDEN_DIM,), dtype=jnp.float32)
    return {"input_ids": input_ids, "position_ids": position_ids, "pos_table": pos_table, "ln_weight": ln_weight, "ln_bias": ln_bias}

def reference(input_ids, position_ids, pos_table, ln_weight, ln_bias):
    # embedding lookup (input_ids only used for device placement in original)
    emb = jnp.take(pos_table, position_ids, axis=0)
    # LayerNorm over last dim (torch default: unbiased=False variance, eps=1e-5)
    mean = jnp.mean(emb, axis=-1, keepdims=True)
    var = jnp.var(emb, axis=-1, keepdims=True)
    normed = (emb - mean) / jnp.sqrt(var + LN_EPS)
    out = normed * ln_weight + ln_bias
    out = out * EMBEDDING_NORM_SCALAR
    return out

if __name__ == "__main__":
    import jax
    _d = setup_inputs()
    print(jax.jit(kernel)(*tuple(_d.values())))

</pallas_src>

<mosaic_0001>
#map = affine_map<(d0, d1) -> (0, 0)>
module attributes {stable_mosaic.version = 14 : i64} {
  func.func @gather(%arg0: i32, %arg1: i32, %arg2: memref<514x128xf32, #tpu.memory_space<hbm>>, %arg3: memref<6400x128xi32, #tpu.memory_space<hbm>>, %arg4: memref<819200x128xf32, #tpu.memory_space<hbm>>, %arg5: memref<200x128xi32, #tpu.memory_space<vmem>>, %arg6: memref<514x128xf32, #tpu.memory_space<vmem_shared>>, %arg7: memref<128x128xf32, #tpu.memory_space<vmem>>, %arg8: memref<128x128xf32, #tpu.memory_space<vmem>>, %arg9: memref<128x128xf32, #tpu.memory_space<vmem>>, %arg10: memref<128x128xf32, #tpu.memory_space<vmem>>, %arg11: memref<!tpu.dma_semaphore, #tpu.memory_space<semaphore_mem>>, %arg12: memref<!tpu.dma_semaphore, #tpu.memory_space<semaphore_mem>>, %arg13: memref<!tpu.dma_semaphore, #tpu.memory_space<semaphore_mem>>, %arg14: memref<!tpu.dma_semaphore, #tpu.memory_space<semaphore_mem>>, %arg15: memref<!tpu.dma_semaphore, #tpu.memory_space<semaphore_mem>>, %arg16: memref<!tpu.dma_semaphore, #tpu.memory_space<semaphore_mem>>, %arg17: memref<!tpu.dma_semaphore, #tpu.memory_space<semaphore_mem>>, %arg18: memref<!tpu.dma_semaphore, #tpu.memory_space<semaphore_mem>>) attributes {dimension_semantics = [#tpu.dimension_semantics<core_parallel>, #tpu.dimension_semantics<subcore_parallel>], iteration_bounds = array<i64: 2, 16>, scalar_prefetch = 0 : i64, scratch_operands = 14 : i64, tpu.core_type = #tpu.core_type<sc_vector_subcore>, window_params = [{transform_indices = #map}, {transform_indices = #map}, {transform_indices = #map}]} {
    %mul3A = arith.constant 2 : i32
    %mul3A_0 = arith.muli %arg1, %mul3A : i32
    %add3A = arith.addi %mul3A_0, %arg0 : i32
    %mul3A_1 = arith.constant 200 : i32
    %mul3A_2 = arith.muli %add3A, %mul3A_1 : i32
    %eq3A = arith.constant 0 : i32
    %eq3A_3 = arith.cmpi eq, %arg1, %eq3A : i32
    %convert_element_type3A = arith.extui %eq3A_3 : i1 to i32
    %cond3A = arith.constant 0 : i32
    %cond3A_4 = arith.cmpi ne, %convert_element_type3A, %cond3A : i32
    scf.if %cond3A_4 {
      "tpu.region"() ({
        %run_scoped3A = tpu.sem_alloc : memref<!tpu.dma_semaphore, #tpu.memory_space<semaphore_mem>>
        tpu.enqueue_dma source(%arg2 : memref<514x128xf32, #tpu.memory_space<hbm>>) target(%arg6 : memref<514x128xf32, #tpu.memory_space<vmem_shared>>) target_semaphore(%run_scoped3A : memref<!tpu.dma_semaphore, #tpu.memory_space<semaphore_mem>>)
        tpu.wait_dma2 semaphore(%run_scoped3A : memref<!tpu.dma_semaphore, #tpu.memory_space<semaphore_mem>>) src(%arg2 : memref<514x128xf32, #tpu.memory_space<hbm>>) dst(%arg6 : memref<514x128xf32, #tpu.memory_space<vmem_shared>>)
        tpu.yield
      }) : () -> ()
    } else {
    }
    "tpu.region"() ({
      %run_scoped3A = tpu.sem_alloc : memref<!tpu.dma_semaphore, #tpu.memory_space<semaphore_mem>>
      %dma_start3A_54 = arith.constant 0 : i32
      %dma_start3A_55 = tpu.memref_slice %arg3[%mul3A_2, %dma_start3A_54] : memref<6400x128xi32, #tpu.memory_space<hbm>> -> memref<200x128xi32, #tpu.memory_space<hbm>>
      %dma_start3A_56 = arith.constant 0 : i32
      %dma_start3A_57 = tpu.memref_slice %arg3[%mul3A_2, %dma_start3A_56] : memref<6400x128xi32, #tpu.memory_space<hbm>> -> memref<200x128xi32, #tpu.memory_space<hbm>>
      tpu.enqueue_dma source(%dma_start3A_57 : memref<200x128xi32, #tpu.memory_space<hbm>>) target(%arg5 : memref<200x128xi32, #tpu.memory_space<vmem>>) target_semaphore(%run_scoped3A : memref<!tpu.dma_semaphore, #tpu.memory_space<semaphore_mem>>)
      %dma_wait3A_58 = arith.constant 0 : i32
      %dma_wait3A_59 = tpu.memref_slice %arg3[%mul3A_2, %dma_wait3A_58] : memref<6400x128xi32, #tpu.memory_space<hbm>> -> memref<200x128xi32, #tpu.memory_space<hbm>>
      %dma_wait3A_60 = arith.constant 0 : i32
      %dma_wait3A_61 = tpu.memref_slice %arg3[%mul3A_2, %dma_wait3A_60] : memref<6400x128xi32, #tpu.memory_space<hbm>> -> memref<200x128xi32, #tpu.memory_space<hbm>>
      tpu.wait_dma2 semaphore(%run_scoped3A : memref<!tpu.dma_semaphore, #tpu.memory_space<semaphore_mem>>) src(%dma_wait3A_61 : memref<200x128xi32, #tpu.memory_space<hbm>>) dst(%arg5 : memref<200x128xi32, #tpu.memory_space<vmem>>)
      tpu.yield
    }) : () -> ()
    %barrier3A = arith.constant 0 : index
    tpu.barrier barrier_id(%barrier3A)
    %dma_start3A = arith.constant 0 : i32
    %dma_start3A_5 = arith.constant 0 : i32
    %dma_start3A_6 = tpu.memref_slice %arg5[%dma_start3A, %dma_start3A_5] : memref<200x128xi32, #tpu.memory_space<vmem>> -> memref<1x128xi32, #tpu.memory_space<vmem>>
    %dma_start3A_7 = tpu.memref_squeeze %dma_start3A_6 : memref<1x128xi32, #tpu.memory_space<vmem>> -> memref<128xi32, #tpu.memory_space<vmem>>
    %dma_start3A_8 = arith.constant 0 : i32
    %dma_start3A_9 = arith.constant 0 : i32
    %dma_start3A_10 = tpu.memref_slice %arg6[%dma_start3A_8, %dma_start3A_9] : memref<514x128xf32, #tpu.memory_space<vmem_shared>> -> memref<514x128xf32, #tpu.memory_space<vmem_shared>>
    tpu.enqueue_indirect_dma source(%dma_start3A_10 : memref<514x128xf32, #tpu.memory_space<vmem_shared>>) target(%arg7 : memref<128x128xf32, #tpu.memory_space<vmem>>) offsets(%dma_start3A_7 : memref<128xi32, #tpu.memory_space<vmem>>) semaphore(%arg11 : memref<!tpu.dma_semaphore, #tpu.memory_space<semaphore_mem>>)
    %dma_start3A_11 = arith.constant 1 : i32
    %dma_start3A_12 = arith.constant 0 : i32
    %dma_start3A_13 = tpu.memref_slice %arg5[%dma_start3A_11, %dma_start3A_12] : memref<200x128xi32, #tpu.memory_space<vmem>> -> memref<1x128xi32, #tpu.memory_space<vmem>>
    %dma_start3A_14 = tpu.memref_squeeze %dma_start3A_13 : memref<1x128xi32, #tpu.memory_space<vmem>> -> memref<128xi32, #tpu.memory_space<vmem>>
    %dma_start3A_15 = arith.constant 0 : i32
    %dma_start3A_16 = arith.constant 0 : i32
    %dma_start3A_17 = tpu.memref_slice %arg6[%dma_start3A_15, %dma_start3A_16] : memref<514x128xf32, #tpu.memory_space<vmem_shared>> -> memref<514x128xf32, #tpu.memory_space<vmem_shared>>
    tpu.enqueue_indirect_dma source(%dma_start3A_17 : memref<514x128xf32, #tpu.memory_space<vmem_shared>>) target(%arg8 : memref<128x128xf32, #tpu.memory_space<vmem>>) offsets(%dma_start3A_14 : memref<128xi32, #tpu.memory_space<vmem>>) semaphore(%arg12 : memref<!tpu.dma_semaphore, #tpu.memory_space<semaphore_mem>>)
    %dma_start3A_18 = arith.constant 2 : i32
    %dma_start3A_19 = arith.constant 0 : i32
    %dma_start3A_20 = tpu.memref_slice %arg5[%dma_start3A_18, %dma_start3A_19] : memref<200x128xi32, #tpu.memory_space<vmem>> -> memref<1x128xi32, #tpu.memory_space<vmem>>
    %dma_start3A_21 = tpu.memref_squeeze %dma_start3A_20 : memref<1x128xi32, #tpu.memory_space<vmem>> -> memref<128xi32, #tpu.memory_space<vmem>>
    %dma_start3A_22 = arith.constant 0 : i32
    %dma_start3A_23 = arith.constant 0 : i32
    %dma_start3A_24 = tpu.memref_slice %arg6[%dma_start3A_22, %dma_start3A_23] : memref<514x128xf32, #tpu.memory_space<vmem_shared>> -> memref<514x128xf32, #tpu.memory_space<vmem_shared>>
    tpu.enqueue_indirect_dma source(%dma_start3A_24 : memref<514x128xf32, #tpu.memory_space<vmem_shared>>) target(%arg9 : memref<128x128xf32, #tpu.memory_space<vmem>>) offsets(%dma_start3A_21 : memref<128xi32, #tpu.memory_space<vmem>>) semaphore(%arg13 : memref<!tpu.dma_semaphore, #tpu.memory_space<semaphore_mem>>)
    %scan3A = arith.constant 0 : i32
    %scan3A_25 = arith.constant 0 : i32
    %scan3A_26 = arith.constant 50 : i32
    %scan3A_27 = arith.addi %scan3A_25, %scan3A_26 : i32
    %scan3A_28 = arith.constant 1 : i32
    %scan3A_29 = scf.for %scan3A_54 = %scan3A_25 to %scan3A_27 step %scan3A_28 iter_args(%scan3A_55 = %scan3A) -> (i32)  : i32 {
      %mul3A_56 = arith.constant 4 : i32
      %mul3A_57 = arith.muli %mul3A_56, %scan3A_54 : i32
      %add3A_58 = arith.constant 0 : i32
      %add3A_59 = arith.addi %mul3A_57, %add3A_58 : i32
      %dma_wait3A_60 = arith.constant 0 : i32
      %dma_wait3A_61 = arith.constant 0 : i32
      %dma_wait3A_62 = tpu.memref_slice %arg2[%dma_wait3A_60, %dma_wait3A_61] : memref<514x128xf32, #tpu.memory_space<hbm>> -> memref<128x128xf32, #tpu.memory_space<hbm>>
      %dma_wait3A_63 = arith.constant 0 : i32
      %dma_wait3A_64 = arith.constant 0 : i32
      %dma_wait3A_65 = tpu.memref_slice %arg2[%dma_wait3A_63, %dma_wait3A_64] : memref<514x128xf32, #tpu.memory_space<hbm>> -> memref<128x128xf32, #tpu.memory_space<hbm>>
      tpu.wait_dma2 semaphore(%arg11 : memref<!tpu.dma_semaphore, #tpu.memory_space<semaphore_mem>>) src(%dma_wait3A_65 : memref<128x128xf32, #tpu.memory_space<hbm>>) dst(%arg7 : memref<128x128xf32, #tpu.memory_space<vmem>>)
      %add3A_66 = arith.addi %mul3A_2, %add3A_59 : i32
      %mul3A_67 = arith.constant 128 : i32
      %mul3A_68 = arith.muli %add3A_66, %mul3A_67 : i32
      %dma_start3A_69 = arith.constant 0 : i32
      %dma_start3A_70 = tpu.memref_slice %arg4[%mul3A_68, %dma_start3A_69] : memref<819200x128xf32, #tpu.memory_space<hbm>> -> memref<128x128xf32, #tpu.memory_space<hbm>>
      %dma_start3A_71 = arith.constant 0 : i32
      %dma_start3A_72 = tpu.memref_slice %arg4[%mul3A_68, %dma_start3A_71] : memref<819200x128xf32, #tpu.memory_space<hbm>> -> memref<128x128xf32, #tpu.memory_space<hbm>>
      tpu.enqueue_dma source(%arg7 : memref<128x128xf32, #tpu.memory_space<vmem>>) target(%dma_start3A_72 : memref<128x128xf32, #tpu.memory_space<hbm>>) target_semaphore(%arg15 : memref<!tpu.dma_semaphore, #tpu.memory_space<semaphore_mem>>)
      %add3A_73 = arith.constant 3 : i32
      %add3A_74 = arith.addi %add3A_59, %add3A_73 : i32
      %lt3A = arith.constant 200 : i32
      %lt3A_75 = arith.cmpi slt, %add3A_74, %lt3A : i32
      %convert_element_type3A_76 = arith.extui %lt3A_75 : i1 to i32
      %cond3A_77 = arith.constant 0 : i32
      %cond3A_78 = arith.cmpi ne, %convert_element_type3A_76, %cond3A_77 : i32
      scf.if %cond3A_78 {
        %ge3A = arith.constant 1 : i32
        %ge3A_152 = arith.cmpi sge, %add3A_59, %ge3A : i32
        %convert_element_type3A_153 = arith.extui %ge3A_152 : i1 to i32
        %cond3A_154 = arith.constant 0 : i32
        %cond3A_155 = arith.cmpi ne, %convert_element_type3A_153, %cond3A_154 : i32
        scf.if %cond3A_155 {
          %dma_wait3A_164 = arith.constant 0 : i32
          %dma_wait3A_165 = arith.constant 0 : i32
          %dma_wait3A_166 = tpu.memref_slice %arg4[%dma_wait3A_164, %dma_wait3A_165] : memref<819200x128xf32, #tpu.memory_space<hbm>> -> memref<128x128xf32, #tpu.memory_space<hbm>>
          %dma_wait3A_167 = arith.constant 0 : i32
          %dma_wait3A_168 = arith.constant 0 : i32
          %dma_wait3A_169 = tpu.memref_slice %arg4[%dma_wait3A_167, %dma_wait3A_168] : memref<819200x128xf32, #tpu.memory_space<hbm>> -> memref<128x128xf32, #tpu.memory_space<hbm>>
          tpu.wait_dma2 semaphore(%arg18 : memref<!tpu.dma_semaphore, #tpu.memory_space<semaphore_mem>>) src(%arg10 : memref<128x128xf32, #tpu.memory_space<vmem>>) dst(%dma_wait3A_169 : memref<128x128xf32, #tpu.memory_space<hbm>>)
        } else {
        }
        %add3A_156 = arith.constant 3 : i32
        %add3A_157 = arith.addi %add3A_59, %add3A_156 : i32
        %dma_start3A_158 = arith.constant 0 : i32
        %dma_start3A_159 = tpu.memref_slice %arg5[%add3A_157, %dma_start3A_158] : memref<200x128xi32, #tpu.memory_space<vmem>> -> memref<1x128xi32, #tpu.memory_space<vmem>>
        %dma_start3A_160 = tpu.memref_squeeze %dma_start3A_159 : memref<1x128xi32, #tpu.memory_space<vmem>> -> memref<128xi32, #tpu.memory_space<vmem>>
        %dma_start3A_161 = arith.constant 0 : i32
        %dma_start3A_162 = arith.constant 0 : i32
        %dma_start3A_163 = tpu.memref_slice %arg6[%dma_start3A_161, %dma_start3A_162] : memref<514x128xf32, #tpu.memory_space<vmem_shared>> -> memref<514x128xf32, #tpu.memory_space<vmem_shared>>
        tpu.enqueue_indirect_dma source(%dma_start3A_163 : memref<514x128xf32, #tpu.memory_space<vmem_shared>>) target(%arg10 : memref<128x128xf32, #tpu.memory_space<vmem>>) offsets(%dma_start3A_160 : memref<128xi32, #tpu.memory_space<vmem>>) semaphore(%arg14 : memref<!tpu.dma_semaphore, #tpu.memory_space<semaphore_mem>>)
      } else {
      }
      %mul3A_79 = arith.constant 4 : i32
      %mul3A_80 = arith.muli %mul3A_79, %scan3A_54 : i32
      %add3A_81 = arith.constant 1 : i32
      %add3A_82 = arith.addi %mul3A_80, %add3A_81 : i32
      %dma_wait3A_83 = arith.constant 0 : i32
      %dma_wait3A_84 = arith.constant 0 : i32
      %dma_wait3A_85 = tpu.memref_slice %arg2[%dma_wait3A_83, %dma_wait3A_84] : memref<514x128xf32, #tpu.memory_space<hbm>> -> memref<128x128xf32, #tpu.memory_space<hbm>>
      %dma_wait3A_86 = arith.constant 0 : i32
      %dma_wait3A_87 = arith.constant 0 : i32
      %dma_wait3A_88 = tpu.memref_slice %arg2[%dma_wait3A_86, %dma_wait3A_87] : memref<514x128xf32, #tpu.memory_space<hbm>> -> memref<128x128xf32, #tpu.memory_space<hbm>>
      tpu.wait_dma2 semaphore(%arg12 : memref<!tpu.dma_semaphore, #tpu.memory_space<semaphore_mem>>) src(%dma_wait3A_88 : memref<128x128xf32, #tpu.memory_space<hbm>>) dst(%arg8 : memref<128x128xf32, #tpu.memory_space<vmem>>)
      %add3A_89 = arith.addi %mul3A_2, %add3A_82 : i32
      %mul3A_90 = arith.constant 128 : i32
      %mul3A_91 = arith.muli %add3A_89, %mul3A_90 : i32
      %dma_start3A_92 = arith.constant 0 : i32
      %dma_start3A_93 = tpu.memref_slice %arg4[%mul3A_91, %dma_start3A_92] : memref<819200x128xf32, #tpu.memory_space<hbm>> -> memref<128x128xf32, #tpu.memory_space<hbm>>
      %dma_start3A_94 = arith.constant 0 : i32
      %dma_start3A_95 = tpu.memref_slice %arg4[%mul3A_91, %dma_start3A_94] : memref<819200x128xf32, #tpu.memory_space<hbm>> -> memref<128x128xf32, #tpu.memory_space<hbm>>
      tpu.enqueue_dma source(%arg8 : memref<128x128xf32, #tpu.memory_space<vmem>>) target(%dma_start3A_95 : memref<128x128xf32, #tpu.memory_space<hbm>>) target_semaphore(%arg16 : memref<!tpu.dma_semaphore, #tpu.memory_space<semaphore_mem>>)
      %add3A_96 = arith.constant 3 : i32
      %add3A_97 = arith.addi %add3A_82, %add3A_96 : i32
      %lt3A_98 = arith.constant 200 : i32
      %lt3A_99 = arith.cmpi slt, %add3A_97, %lt3A_98 : i32
      %convert_element_type3A_100 = arith.extui %lt3A_99 : i1 to i32
      %cond3A_101 = arith.constant 0 : i32
      %cond3A_102 = arith.cmpi ne, %convert_element_type3A_100, %cond3A_101 : i32
      scf.if %cond3A_102 {
        %ge3A = arith.constant 1 : i32
        %ge3A_152 = arith.cmpi sge, %add3A_82, %ge3A : i32
        %convert_element_type3A_153 = arith.extui %ge3A_152 : i1 to i32
        %cond3A_154 = arith.constant 0 : i32
        %cond3A_155 = arith.cmpi ne, %convert_element_type3A_153, %cond3A_154 : i32
        scf.if %cond3A_155 {
          %dma_wait3A_164 = arith.constant 0 : i32
          %dma_wait3A_165 = arith.constant 0 : i32
          %dma_wait3A_166 = tpu.memref_slice %arg4[%dma_wait3A_164, %dma_wait3A_165] : memref<819200x128xf32, #tpu.memory_space<hbm>> -> memref<128x128xf32, #tpu.memory_space<hbm>>
          %dma_wait3A_167 = arith.constant 0 : i32
          %dma_wait3A_168 = arith.constant 0 : i32
          %dma_wait3A_169 = tpu.memref_slice %arg4[%dma_wait3A_167, %dma_wait3A_168] : memref<819200x128xf32, #tpu.memory_space<hbm>> -> memref<128x128xf32, #tpu.memory_space<hbm>>
          tpu.wait_dma2 semaphore(%arg15 : memref<!tpu.dma_semaphore, #tpu.memory_space<semaphore_mem>>) src(%arg7 : memref<128x128xf32, #tpu.memory_space<vmem>>) dst(%dma_wait3A_169 : memref<128x128xf32, #tpu.memory_space<hbm>>)
        } else {
        }
        %add3A_156 = arith.constant 3 : i32
        %add3A_157 = arith.addi %add3A_82, %add3A_156 : i32
        %dma_start3A_158 = arith.constant 0 : i32
        %dma_start3A_159 = tpu.memref_slice %arg5[%add3A_157, %dma_start3A_158] : memref<200x128xi32, #tpu.memory_space<vmem>> -> memref<1x128xi32, #tpu.memory_space<vmem>>
        %dma_start3A_160 = tpu.memref_squeeze %dma_start3A_159 : memref<1x128xi32, #tpu.memory_space<vmem>> -> memref<128xi32, #tpu.memory_space<vmem>>
        %dma_start3A_161 = arith.constant 0 : i32
        %dma_start3A_162 = arith.constant 0 : i32
        %dma_start3A_163 = tpu.memref_slice %arg6[%dma_start3A_161, %dma_start3A_162] : memref<514x128xf32, #tpu.memory_space<vmem_shared>> -> memref<514x128xf32, #tpu.memory_space<vmem_shared>>
        tpu.enqueue_indirect_dma source(%dma_start3A_163 : memref<514x128xf32, #tpu.memory_space<vmem_shared>>) target(%arg7 : memref<128x128xf32, #tpu.memory_space<vmem>>) offsets(%dma_start3A_160 : memref<128xi32, #tpu.memory_space<vmem>>) semaphore(%arg11 : memref<!tpu.dma_semaphore, #tpu.memory_space<semaphore_mem>>)
      } else {
      }
      %mul3A_103 = arith.constant 4 : i32
      %mul3A_104 = arith.muli %mul3A_103, %scan3A_54 : i32
      %add3A_105 = arith.constant 2 : i32
      %add3A_106 = arith.addi %mul3A_104, %add3A_105 : i32
      %dma_wait3A_107 = arith.constant 0 : i32
      %dma_wait3A_108 = arith.constant 0 : i32
      %dma_wait3A_109 = tpu.memref_slice %arg2[%dma_wait3A_107, %dma_wait3A_108] : memref<514x128xf32, #tpu.memory_space<hbm>> -> memref<128x128xf32, #tpu.memory_space<hbm>>
      %dma_wait3A_110 = arith.constant 0 : i32
      %dma_wait3A_111 = arith.constant 0 : i32
      %dma_wait3A_112 = tpu.memref_slice %arg2[%dma_wait3A_110, %dma_wait3A_111] : memref<514x128xf32, #tpu.memory_space<hbm>> -> memref<128x128xf32, #tpu.memory_space<hbm>>
      tpu.wait_dma2 semaphore(%arg13 : memref<!tpu.dma_semaphore, #tpu.memory_space<semaphore_mem>>) src(%dma_wait3A_112 : memref<128x128xf32, #tpu.memory_space<hbm>>) dst(%arg9 : memref<128x128xf32, #tpu.memory_space<vmem>>)
      %add3A_113 = arith.addi %mul3A_2, %add3A_106 : i32
      %mul3A_114 = arith.constant 128 : i32
      %mul3A_115 = arith.muli %add3A_113, %mul3A_114 : i32
      %dma_start3A_116 = arith.constant 0 : i32
      %dma_start3A_117 = tpu.memref_slice %arg4[%mul3A_115, %dma_start3A_116] : memref<819200x128xf32, #tpu.memory_space<hbm>> -> memref<128x128xf32, #tpu.memory_space<hbm>>
      %dma_start3A_118 = arith.constant 0 : i32
      %dma_start3A_119 = tpu.memref_slice %arg4[%mul3A_115, %dma_start3A_118] : memref<819200x128xf32, #tpu.memory_space<hbm>> -> memref<128x128xf32, #tpu.memory_space<hbm>>
      tpu.enqueue_dma source(%arg9 : memref<128x128xf32, #tpu.memory_space<vmem>>) target(%dma_start3A_119 : memref<128x128xf32, #tpu.memory_space<hbm>>) target_semaphore(%arg17 : memref<!tpu.dma_semaphore, #tpu.memory_space<semaphore_mem>>)
      %add3A_120 = arith.constant 3 : i32
      %add3A_121 = arith.addi %add3A_106, %add3A_120 : i32
      %lt3A_122 = arith.constant 200 : i32
      %lt3A_123 = arith.cmpi slt, %add3A_121, %lt3A_122 : i32
      %convert_element_type3A_124 = arith.extui %lt3A_123 : i1 to i32
      %cond3A_125 = arith.constant 0 : i32
      %cond3A_126 = arith.cmpi ne, %convert_element_type3A_124, %cond3A_125 : i32
      scf.if %cond3A_126 {
        %ge3A = arith.constant 1 : i32
        %ge3A_152 = arith.cmpi sge, %add3A_106, %ge3A : i32
        %convert_element_type3A_153 = arith.extui %ge3A_152 : i1 to i32
        %cond3A_154 = arith.constant 0 : i32
        %cond3A_155 = arith.cmpi ne, %convert_element_type3A_153, %cond3A_154 : i32
        scf.if %cond3A_155 {
          %dma_wait3A_164 = arith.constant 0 : i32
          %dma_wait3A_165 = arith.constant 0 : i32
          %dma_wait3A_166 = tpu.memref_slice %arg4[%dma_wait3A_164, %dma_wait3A_165] : memref<819200x128xf32, #tpu.memory_space<hbm>> -> memref<128x128xf32, #tpu.memory_space<hbm>>
          %dma_wait3A_167 = arith.constant 0 : i32
          %dma_wait3A_168 = arith.constant 0 : i32
          %dma_wait3A_169 = tpu.memref_slice %arg4[%dma_wait3A_167, %dma_wait3A_168] : memref<819200x128xf32, #tpu.memory_space<hbm>> -> memref<128x128xf32, #tpu.memory_space<hbm>>
          tpu.wait_dma2 semaphore(%arg16 : memref<!tpu.dma_semaphore, #tpu.memory_space<semaphore_mem>>) src(%arg8 : memref<128x128xf32, #tpu.memory_space<vmem>>) dst(%dma_wait3A_169 : memref<128x128xf32, #tpu.memory_space<hbm>>)
        } else {
        }
        %add3A_156 = arith.constant 3 : i32
        %add3A_157 = arith.addi %add3A_106, %add3A_156 : i32
        %dma_start3A_158 = arith.constant 0 : i32
        %dma_start3A_159 = tpu.memref_slice %arg5[%add3A_157, %dma_start3A_158] : memref<200x128xi32, #tpu.memory_space<vmem>> -> memref<1x128xi32, #tpu.memory_space<vmem>>
        %dma_start3A_160 = tpu.memref_squeeze %dma_start3A_159 : memref<1x128xi32, #tpu.memory_space<vmem>> -> memref<128xi32, #tpu.memory_space<vmem>>
        %dma_start3A_161 = arith.constant 0 : i32
        %dma_start3A_162 = arith.constant 0 : i32
        %dma_start3A_163 = tpu.memref_slice %arg6[%dma_start3A_161, %dma_start3A_162] : memref<514x128xf32, #tpu.memory_space<vmem_shared>> -> memref<514x128xf32, #tpu.memory_space<vmem_shared>>
        tpu.enqueue_indirect_dma source(%dma_start3A_163 : memref<514x128xf32, #tpu.memory_space<vmem_shared>>) target(%arg8 : memref<128x128xf32, #tpu.memory_space<vmem>>) offsets(%dma_start3A_160 : memref<128xi32, #tpu.memory_space<vmem>>) semaphore(%arg12 : memref<!tpu.dma_semaphore, #tpu.memory_space<semaphore_mem>>)
      } else {
      }
      %mul3A_127 = arith.constant 4 : i32
      %mul3A_128 = arith.muli %mul3A_127, %scan3A_54 : i32
      %add3A_129 = arith.constant 3 : i32
      %add3A_130 = arith.addi %mul3A_128, %add3A_129 : i32
      %dma_wait3A_131 = arith.constant 0 : i32
      %dma_wait3A_132 = arith.constant 0 : i32
      %dma_wait3A_133 = tpu.memref_slice %arg2[%dma_wait3A_131, %dma_wait3A_132] : memref<514x128xf32, #tpu.memory_space<hbm>> -> memref<128x128xf32, #tpu.memory_space<hbm>>
      %dma_wait3A_134 = arith.constant 0 : i32
      %dma_wait3A_135 = arith.constant 0 : i32
      %dma_wait3A_136 = tpu.memref_slice %arg2[%dma_wait3A_134, %dma_wait3A_135] : memref<514x128xf32, #tpu.memory_space<hbm>> -> memref<128x128xf32, #tpu.memory_space<hbm>>
      tpu.wait_dma2 semaphore(%arg14 : memref<!tpu.dma_semaphore, #tpu.memory_space<semaphore_mem>>) src(%dma_wait3A_136 : memref<128x128xf32, #tpu.memory_space<hbm>>) dst(%arg10 : memref<128x128xf32, #tpu.memory_space<vmem>>)
      %add3A_137 = arith.addi %mul3A_2, %add3A_130 : i32
      %mul3A_138 = arith.constant 128 : i32
      %mul3A_139 = arith.muli %add3A_137, %mul3A_138 : i32
      %dma_start3A_140 = arith.constant 0 : i32
      %dma_start3A_141 = tpu.memref_slice %arg4[%mul3A_139, %dma_start3A_140] : memref<819200x128xf32, #tpu.memory_space<hbm>> -> memref<128x128xf32, #tpu.memory_space<hbm>>
      %dma_start3A_142 = arith.constant 0 : i32
      %dma_start3A_143 = tpu.memref_slice %arg4[%mul3A_139, %dma_start3A_142] : memref<819200x128xf32, #tpu.memory_space<hbm>> -> memref<128x128xf32, #tpu.memory_space<hbm>>
      tpu.enqueue_dma source(%arg10 : memref<128x128xf32, #tpu.memory_space<vmem>>) target(%dma_start3A_143 : memref<128x128xf32, #tpu.memory_space<hbm>>) target_semaphore(%arg18 : memref<!tpu.dma_semaphore, #tpu.memory_space<semaphore_mem>>)
      %add3A_144 = arith.constant 3 : i32
      %add3A_145 = arith.addi %add3A_130, %add3A_144 : i32
      %lt3A_146 = arith.constant 200 : i32
      %lt3A_147 = arith.cmpi slt, %add3A_145, %lt3A_146 : i32
      %convert_element_type3A_148 = arith.extui %lt3A_147 : i1 to i32
      %cond3A_149 = arith.constant 0 : i32
      %cond3A_150 = arith.cmpi ne, %convert_element_type3A_148, %cond3A_149 : i32
      scf.if %cond3A_150 {
        %ge3A = arith.constant 1 : i32
        %ge3A_152 = arith.cmpi sge, %add3A_130, %ge3A : i32
        %convert_element_type3A_153 = arith.extui %ge3A_152 : i1 to i32
        %cond3A_154 = arith.constant 0 : i32
        %cond3A_155 = arith.cmpi ne, %convert_element_type3A_153, %cond3A_154 : i32
        scf.if %cond3A_155 {
          %dma_wait3A_164 = arith.constant 0 : i32
          %dma_wait3A_165 = arith.constant 0 : i32
          %dma_wait3A_166 = tpu.memref_slice %arg4[%dma_wait3A_164, %dma_wait3A_165] : memref<819200x128xf32, #tpu.memory_space<hbm>> -> memref<128x128xf32, #tpu.memory_space<hbm>>
          %dma_wait3A_167 = arith.constant 0 : i32
          %dma_wait3A_168 = arith.constant 0 : i32
          %dma_wait3A_169 = tpu.memref_slice %arg4[%dma_wait3A_167, %dma_wait3A_168] : memref<819200x128xf32, #tpu.memory_space<hbm>> -> memref<128x128xf32, #tpu.memory_space<hbm>>
          tpu.wait_dma2 semaphore(%arg17 : memref<!tpu.dma_semaphore, #tpu.memory_space<semaphore_mem>>) src(%arg9 : memref<128x128xf32, #tpu.memory_space<vmem>>) dst(%dma_wait3A_169 : memref<128x128xf32, #tpu.memory_space<hbm>>)
        } else {
        }
        %add3A_156 = arith.constant 3 : i32
        %add3A_157 = arith.addi %add3A_130, %add3A_156 : i32
        %dma_start3A_158 = arith.constant 0 : i32
        %dma_start3A_159 = tpu.memref_slice %arg5[%add3A_157, %dma_start3A_158] : memref<200x128xi32, #tpu.memory_space<vmem>> -> memref<1x128xi32, #tpu.memory_space<vmem>>
        %dma_start3A_160 = tpu.memref_squeeze %dma_start3A_159 : memref<1x128xi32, #tpu.memory_space<vmem>> -> memref<128xi32, #tpu.memory_space<vmem>>
        %dma_start3A_161 = arith.constant 0 : i32
        %dma_start3A_162 = arith.constant 0 : i32
        %dma_start3A_163 = tpu.memref_slice %arg6[%dma_start3A_161, %dma_start3A_162] : memref<514x128xf32, #tpu.memory_space<vmem_shared>> -> memref<514x128xf32, #tpu.memory_space<vmem_shared>>
        tpu.enqueue_indirect_dma source(%dma_start3A_163 : memref<514x128xf32, #tpu.memory_space<vmem_shared>>) target(%arg9 : memref<128x128xf32, #tpu.memory_space<vmem>>) offsets(%dma_start3A_160 : memref<128xi32, #tpu.memory_space<vmem>>) semaphore(%arg13 : memref<!tpu.dma_semaphore, #tpu.memory_space<semaphore_mem>>)
      } else {
      }
      %scan3A_151 = arith.constant 0 : i32
      scf.yield %scan3A_151 : i32
    }
    %scan3A_30 = arith.constant 50 : i32
    %dma_wait3A = arith.constant 0 : i32
    %dma_wait3A_31 = arith.constant 0 : i32
    %dma_wait3A_32 = tpu.memref_slice %arg4[%dma_wait3A, %dma_wait3A_31] : memref<819200x128xf32, #tpu.memory_space<hbm>> -> memref<128x128xf32, #tpu.memory_space<hbm>>
    %dma_wait3A_33 = arith.constant 0 : i32
    %dma_wait3A_34 = arith.constant 0 : i32
    %dma_wait3A_35 = tpu.memref_slice %arg4[%dma_wait3A_33, %dma_wait3A_34] : memref<819200x128xf32, #tpu.memory_space<hbm>> -> memref<128x128xf32, #tpu.memory_space<hbm>>
    tpu.wait_dma2 semaphore(%arg15 : memref<!tpu.dma_semaphore, #tpu.memory_space<semaphore_mem>>) src(%arg7 : memref<128x128xf32, #tpu.memory_space<vmem>>) dst(%dma_wait3A_35 : memref<128x128xf32, #tpu.memory_space<hbm>>)
    %dma_wait3A_36 = arith.constant 0 : i32
    %dma_wait3A_37 = arith.constant 0 : i32
    %dma_wait3A_38 = tpu.memref_slice %arg4[%dma_wait3A_36, %dma_wait3A_37] : memref<819200x128xf32, #tpu.memory_space<hbm>> -> memref<128x128xf32, #tpu.memory_space<hbm>>
    %dma_wait3A_39 = arith.constant 0 : i32
    %dma_wait3A_40 = arith.constant 0 : i32
    %dma_wait3A_41 = tpu.memref_slice %arg4[%dma_wait3A_39, %dma_wait3A_40] : memref<819200x128xf32, #tpu.memory_space<hbm>> -> memref<128x128xf32, #tpu.memory_space<hbm>>
    tpu.wait_dma2 semaphore(%arg16 : memref<!tpu.dma_semaphore, #tpu.memory_space<semaphore_mem>>) src(%arg8 : memref<128x128xf32, #tpu.memory_space<vmem>>) dst(%dma_wait3A_41 : memref<128x128xf32, #tpu.memory_space<hbm>>)
    %dma_wait3A_42 = arith.constant 0 : i32
    %dma_wait3A_43 = arith.constant 0 : i32
    %dma_wait3A_44 = tpu.memref_slice %arg4[%dma_wait3A_42, %dma_wait3A_43] : memref<819200x128xf32, #tpu.memory_space<hbm>> -> memref<128x128xf32, #tpu.memory_space<hbm>>
    %dma_wait3A_45 = arith.constant 0 : i32
    %dma_wait3A_46 = arith.constant 0 : i32
    %dma_wait3A_47 = tpu.memref_slice %arg4[%dma_wait3A_45, %dma_wait3A_46] : memref<819200x128xf32, #tpu.memory_space<hbm>> -> memref<128x128xf32, #tpu.memory_space<hbm>>
    tpu.wait_dma2 semaphore(%arg17 : memref<!tpu.dma_semaphore, #tpu.memory_space<semaphore_mem>>) src(%arg9 : memref<128x128xf32, #tpu.memory_space<vmem>>) dst(%dma_wait3A_47 : memref<128x128xf32, #tpu.memory_space<hbm>>)
    %dma_wait3A_48 = arith.constant 0 : i32
    %dma_wait3A_49 = arith.constant 0 : i32
    %dma_wait3A_50 = tpu.memref_slice %arg4[%dma_wait3A_48, %dma_wait3A_49] : memref<819200x128xf32, #tpu.memory_space<hbm>> -> memref<128x128xf32, #tpu.memory_space<hbm>>
    %dma_wait3A_51 = arith.constant 0 : i32
    %dma_wait3A_52 = arith.constant 0 : i32
    %dma_wait3A_53 = tpu.memref_slice %arg4[%dma_wait3A_51, %dma_wait3A_52] : memref<819200x128xf32, #tpu.memory_space<hbm>> -> memref<128x128xf32, #tpu.memory_space<hbm>>
    tpu.wait_dma2 semaphore(%arg18 : memref<!tpu.dma_semaphore, #tpu.memory_space<semaphore_mem>>) src(%arg10 : memref<128x128xf32, #tpu.memory_space<vmem>>) dst(%dma_wait3A_53 : memref<128x128xf32, #tpu.memory_space<hbm>>)
    return
  }
}

module attributes {stable_mosaic.version = 14 : i64} {
  func.func @_ln_table_body(%arg0: memref<514x128xf32, #tpu.memory_space<vmem>>, %arg1: memref<1x128xf32, #tpu.memory_space<vmem>>, %arg2: memref<1x128xf32, #tpu.memory_space<vmem>>, %arg3: memref<514x128xf32, #tpu.memory_space<vmem>>) attributes {dimension_semantics = [], scalar_prefetch = 0 : i64, scratch_operands = 0 : i64, tpu.core_type = #tpu.core_type<tc>} {
    %get3A = arith.constant 0 : index
    %get3A_0 = arith.constant 0 : index
    %get3A_1 = vector.load %arg0[%get3A, %get3A_0] : memref<514x128xf32, #tpu.memory_space<vmem>>, vector<514x128xf32>
    %reduce_sum3A = arith.constant dense<0.000000e+00> : vector<514xf32>
    %reduce_sum3A_2 = vector.multi_reduction <add>, %get3A_1, %reduce_sum3A [1] : vector<514x128xf32> to vector<514xf32>
    %broadcast_in_dim3A = vector.shape_cast %reduce_sum3A_2 : vector<514xf32> to vector<514x1xf32>
    %div3A = arith.constant 1.280000e+02 : f32
    %div3A_3 = vector.broadcast %div3A : f32 to vector<514x1xf32>
    %div3A_4 = arith.divf %broadcast_in_dim3A, %div3A_3 : vector<514x1xf32>
    %sub3A = vector.broadcast %div3A_4 : vector<514x1xf32> to vector<514x128xf32>
    %sub3A_5 = arith.subf %get3A_1, %sub3A : vector<514x128xf32>
    %integer_pow3A = arith.mulf %sub3A_5, %sub3A_5 : vector<514x128xf32>
    %reduce_sum3A_6 = arith.constant dense<0.000000e+00> : vector<514xf32>
    %reduce_sum3A_7 = vector.multi_reduction <add>, %integer_pow3A, %reduce_sum3A_6 [1] : vector<514x128xf32> to vector<514xf32>
    %broadcast_in_dim3A_8 = vector.shape_cast %reduce_sum3A_7 : vector<514xf32> to vector<514x1xf32>
    %div3A_9 = arith.constant 1.280000e+02 : f32
    %div3A_10 = vector.broadcast %div3A_9 : f32 to vector<514x1xf32>
    %div3A_11 = arith.divf %broadcast_in_dim3A_8, %div3A_10 : vector<514x1xf32>
    %sub3A_12 = vector.broadcast %div3A_4 : vector<514x1xf32> to vector<514x128xf32>
    %sub3A_13 = arith.subf %get3A_1, %sub3A_12 : vector<514x128xf32>
    %add3A = arith.constant 9.99999974E-6 : f32
    %add3A_14 = vector.broadcast %add3A : f32 to vector<514x1xf32>
    %add3A_15 = arith.addf %div3A_11, %add3A_14 : vector<514x1xf32>
    %sqrt3A = math.sqrt %add3A_15 : vector<514x1xf32>
    %div3A_16 = vector.broadcast %sqrt3A : vector<514x1xf32> to vector<514x128xf32>
    %div3A_17 = arith.divf %sub3A_13, %div3A_16 : vector<514x128xf32>
    %get3A_18 = arith.constant 0 : index
    %get3A_19 = arith.constant 0 : index
    %get3A_20 = vector.load %arg1[%get3A_18, %get3A_19] : memref<1x128xf32, #tpu.memory_space<vmem>>, vector<1x128xf32>
    %mul3A = vector.broadcast %get3A_20 : vector<1x128xf32> to vector<514x128xf32>
    %mul3A_21 = arith.mulf %div3A_17, %mul3A : vector<514x128xf32>
    %get3A_22 = arith.constant 0 : index
    %get3A_23 = arith.constant 0 : index
    %get3A_24 = vector.load %arg2[%get3A_22, %get3A_23] : memref<1x128xf32, #tpu.memory_space<vmem>>, vector<1x128xf32>
    %add3A_25 = vector.broadcast %get3A_24 : vector<1x128xf32> to vector<514x128xf32>
    %add3A_26 = arith.addf %mul3A_21, %add3A_25 : vector<514x128xf32>
    %swap3A = arith.constant 0 : index
    %swap3A_27 = arith.constant 0 : index
    %swap3A_28 = vector.load %arg3[%swap3A, %swap3A_27] : memref<514x128xf32, #tpu.memory_space<vmem>>, vector<514x128xf32>
    tpu.vector_store %arg3[%swap3A, %swap3A_27], %add3A_26 {strides = array<i32>} : memref<514x128xf32, #tpu.memory_space<vmem>>, vector<514x128xf32>,
    return
  }
}

</mosaic_0001>

<sc_bundles>
// kernel: kernel.4.cloned.1.call-start
scs
__scs_entry_jumppad:
0x0: {  	(pc) =	sbr.rel $0x88, $3  }
0x1: {  	(tag) =	ssettag $0x0;
	lr =	simm.s32 $0x1  }
0x2: {  	[smem:$0x3F9D] =	sst lr;
	_ =	strace $0xD0000000  }
0x3: {  	_ = 	snop  }
0x4: {  	_ = 	snop  }
0x5: {  	_ = 	snop  }
0x6: {  	_ = 	snop  }
0x7: {  	_ = 	snop  }
__scs_overlays_trampoline_lowered:
0x8: {  	[smem:$0x3FAC] =	sst s0  }
0x9: {  	[smem:$0x3FAD] =	sst s1  }
0xa: {  	[smem:$0x3FAE] =	sst s2  }
0xb: {  	[smem:$0x3FAF] =	sst s3  }
0xc: {  	[smem:$0x3FB0] =	sst s4  }
0xd: {  	[smem:$0x3FB1] =	sst s5  }
0xe: {  	[smem:$0x3FB2] =	sst s6  }
0xf: {  	[smem:$0x3FB3] =	sst s7  }
0x10: {  	[smem:$0x3FB4] =	sst s8  }
0x11: {  	[smem:$0x3FB5] =	sst s9;
	s0 =	simm.s32 @!p0 $0x0  }
0x12: {  	s1 =	sld [smem:$0x3F9B];
	s0 =	simm.s32 @p0 $0x1  }
0x13: {  	[smem:$0x3FB6] =	sst s0;
	s0 =	simm.s32 @!p1 $0x0  }
0x14: {  	s2 =	sld [smem:$0x3F9A];
	s0 =	simm.s32 @p1 $0x1  }
0x15: {  	[smem:$0x3FB7] =	sst s0;
	s0 =	simm.s32 @!p2 $0x0  }
0x16: {  	s3 =	sld [smem:$0x3FDB];
	s0 =	simm.s32 @p2 $0x1  }
0x17: {  	s4 =	simm.s32 $0x1BF5;
	[smem:$0x3FB9] =	sst s0  }
0x18: {  	s0 =	sld [smem:$0x3F9C];
	_ =	swait.ge [sflag:s4], $0x0  }
0x19: {  	s7 =	sld [smem:$0x3F9D]  }
0x1a: {  	s8 =	sadd.s32 $0xFFFFE003, lr  }
0x1b: {  	s9 =	sadd.s32 $0xFFFFFEF7, lr;
	s5 =	simm.s32 $0xFFFFFFFF;
	p2 =	slt.u32 s8, $0xFFFFF086  }
0x1c: {  	p1 =	slt.u32 s9, $0xF7A;
	s5 =	simm.s32 @!p2 $0x0  }
0x1d: {  	s5 =	simm.s32 @p1 $0x1;
	p0 =	seq.s32 s7, s2  }
0x1e: {  	s7 =	smul.u32 @!p0 $0xF7A, s2;
	p2 =	seq.s32 @!p0 s5, $0x0  }
0x1f: {  	s9 =	smul.u32 $0xF7A, s1;
	s8 =	simm.s32 @!p0 $0x1BF5;
	p2 =	por !p2, p0  }
0x20: {  	[sflag:s8] =	ssyncset.s32 @!p0 $0xFFFFF086;
	s6 =	sadd.s32 @!p0 s3, s7;
	s7 =	simm.s32 @!p0 $0x108  }
0x21: {  	s3 =	sadd.s32 s3, s9;
	s6 =	sadd.s32 @!p0 $0x88, s6;
	s7 =	simm.s32 @p2 $0x1082  }
0x22: {  	[simem:s7], [sflag:s8] =	dma.local @!p0 [hbm:s6], $0xF7A  }
0x23: {  	s9 =	sor.u32 $0xD0000000, s2;
	s6 =	simm.s32 $0x108;
	_ =	swait.ge @!p0 [sflag:s8], $0x0  }
0x24: {  	s3 =	sadd.s32 $0x88, s3;
	s6 =	simm.s32 @!p1 $0x1082;
	[sflag:s4] =	ssyncset.s32 $0xFFFFF086  }
0x25: {  	[simem:s6], [sflag:s4] =	dma.local [hbm:s3], $0xF7A  }
0x26: {  	[smem:$0x3F9D] =	sst s1;
	(tag) =	ssettag s2;
	_ =	strace s9  }
0x27: {  	s1 =	sld [smem:$0x3FAD]  }
0x28: {  	s2 =	sld [smem:$0x3FAE]  }
0x29: {  	s4 =	sld [smem:$0x3FB0]  }
0x2a: {  	p0 =	seq.s32 s5, $0x0;
	s5 =	sld [smem:$0x3FB1]  }
0x2b: {  	s6 =	sld [smem:$0x3FB2]  }
0x2c: {  	s7 =	sld [smem:$0x3FB3]  }
0x2d: {  	s3 =	simm.s32 $0x108;
	s8 =	sld [smem:$0x3FB4]  }
0x2e: {  	s3 =	simm.s32 @!p0 $0x1082;
	s9 =	sld [smem:$0x3FB5]  }
0x2f: {  	lr =	sadd.s32 s0, s3;
	s0 =	sld [smem:$0x3FAC]  }
0x30: {  	s3 =	sld [smem:$0x3FAF]  }
0x31: {  	[smem:$0x3FB8] =	sst s10  }
0x32: {  	s10 =	sld [smem:$0x3FB6];
	_ =	sdelay $0x3  }
0x33: {  	p0 =	seq.s32 s10, $0x1;
	s10 =	sld [smem:$0x3FB8];
	_ =	sdelay $0x3  }
0x34: {  	[smem:$0x3FB8] =	sst s10  }
0x35: {  	s10 =	sld [smem:$0x3FB7];
	_ =	sdelay $0x3  }
0x36: {  	p1 =	seq.s32 s10, $0x1;
	s10 =	sld [smem:$0x3FB8];
	_ =	sdelay $0x3  }
0x37: {  	[smem:$0x3FB8] =	sst s10  }
0x38: {  	s10 =	sld [smem:$0x3FB9]  }
0x39: {  	_ = 	snop;
	(pc) =	sbr.ind lr, $3  }
0x3a: {  	_ = 	snop  }
0x3b: {  	_ = 	snop  }
0x3c: {  	p2 =	seq.s32 s10, $0x1;
	s10 =	sld [smem:$0x3FB8]  }
0x3d: {  	_ =	shalt  }
0x3e: {  	_ =	shalt  }
0x3f: {  	_ =	shalt  }
0x40: {  	_ =	shalt  }
0x41: {  	_ =	shalt  }
0x42: {  	_ =	shalt  }
0x43: {  	_ =	shalt  }
0x44: {  	_ =	shalt  }
0x45: {  	_ =	shalt  }
0x46: {  	_ =	shalt  }
0x47: {  	_ =	shalt  }
0x48: {  	_ =	shalt  }
0x49: {  	_ =	shalt  }
0x4a: {  	_ =	shalt  }
0x4b: {  	_ =	shalt  }
0x4c: {  	_ =	shalt  }
0x4d: {  	_ =	shalt  }
0x4e: {  	_ =	shalt  }
0x4f: {  	_ =	shalt  }
0x50: {  	_ =	shalt  }
0x51: {  	_ =	shalt  }
0x52: {  	_ =	shalt  }
0x53: {  	_ =	shalt  }
0x54: {  	_ =	shalt  }
0x55: {  	_ =	shalt  }
0x56: {  	_ =	shalt  }
0x57: {  	_ =	shalt  }
0x58: {  	_ =	shalt  }
0x59: {  	_ =	shalt  }
0x5a: {  	_ =	shalt  }
0x5b: {  	_ =	shalt  }
0x5c: {  	_ =	shalt  }
0x5d: {  	_ =	shalt  }
0x5e: {  	_ =	shalt  }
0x5f: {  	_ =	shalt  }
0x60: {  	_ =	shalt  }
0x61: {  	_ =	shalt  }
0x62: {  	_ =	shalt  }
0x63: {  	_ =	shalt  }
0x64: {  	_ =	shalt  }
0x65: {  	_ =	shalt  }
0x66: {  	_ =	shalt  }
0x67: {  	_ =	shalt  }
0x68: {  	_ =	shalt  }
0x69: {  	_ =	shalt  }
0x6a: {  	_ =	shalt  }
0x6b: {  	_ =	shalt  }
0x6c: {  	_ =	shalt  }
0x6d: {  	_ =	shalt  }
0x6e: {  	_ =	shalt  }
0x6f: {  	_ =	shalt  }
0x70: {  	_ =	shalt  }
0x71: {  	_ =	shalt  }
0x72: {  	_ =	shalt  }
0x73: {  	_ =	shalt  }
0x74: {  	_ =	shalt  }
0x75: {  	_ =	shalt  }
0x76: {  	_ =	shalt  }
0x77: {  	_ =	shalt  }
0x78: {  	_ =	shalt  }
0x79: {  	_ =	shalt  }
0x7a: {  	_ =	shalt  }
0x7b: {  	_ =	shalt  }
0x7c: {  	_ =	shalt  }
0x7d: {  	_ =	shalt  }
0x7e: {  	_ =	shalt  }
0x7f: {  	_ =	shalt  }
0x80: {  	_ =	shalt  }
0x81: {  	_ =	shalt  }
0x82: {  	_ =	shalt  }
0x83: {  	_ =	shalt  }
0x84: {  	_ =	shalt  }
0x85: {  	_ =	shalt  }
0x86: {  	_ =	shalt  }
0x87: {  	_ =	shalt  }
.Lfunc_end0:
.L_simem_size_0:
called_computation_lowered:
.L_overlay_start_0:
0x88: {  	s2 =	sld [smem:$0x3FD9]  }
0x89: {  	s3 =	sld [smem:$0x3FFE];
	_ =	sdelay $0x1  }
0x8a: {  	s1 =	srdreg.scid  }
0x8b: {  	s0 =	sand.u32 $0x1, s1  }
0x8c: {  	s17 =	sshll.u32 s0, $0xA;
	s2 =	sadd.s32 s3, s2  }
0x8d: {  	s2 =	sadd.s32 s2, s17  }
0x8e: {  	[smem:$0x3FC4] =	sst s2  }
0x8f: {  	_ = 	snop  }
0x90: {  	s2 =	sld [smem:$0x3FD0];
	(tm) =	ssettm $0x1  }
0x91: {  	s18 =	sld [smem:$0x3FFB];
	_ =	sdelay $0x3  }
0x92: {  	_ =	strace s18  }
0x93: {  	s3 =	sld [smem:$0x3FFC];
	_ =	sdelay $0x3  }
0x94: {  	_ =	strace s3  }
0x95: {  	s3 =	sld [smem:$0x3FFD];
	_ =	sdelay $0x3  }
0x96: {  	_ =	strace s3  }
0x97: {  	_ =	strace $0x8FFFFFFF  }
0x98: {  	s19 =	sld [smem:$0x3FDB];
	_ =	sdelay $0x1  }
0x99: {  	s4 =	simm.s32 $_scs_section_size  }
0x9a: {  	s5 =	simm.s32 $_size__tile_overlayer_lowered;
	s6 =	simm.s32 $_tile_overlayer_lowered  }
0x9b: {  	s22 =	simm.s32 $0x1BFF;
	s21 =	sshll.u32 s6, $0x1;
	s3 =	sadd.s32 s4, s19  }
0x9c: {  	s7 =	simm.s32 $0x0;
	s20 =	sshll.u32 s5, $0x1;
	s5 =	sadd.s32 s21, s3  }
0x9d: {  	[timem:s7], [sflag:s22] =	dma.local [hbm:s5], s20  }
0x9e: {  	_ =	swait.ge [sflag:s22], s20  }
0x9f: {  	s4 =	ssub.s32 $0x0, s20;
	[sflag:s22] =	ssyncset.done $0x0  }
0xa0: {  	[sflag:s22] =	ssyncadd.s32 s4;
	_ =	sdelay $0x1  }
0xa1: {  	s23 =	simm.s32 $0x1B8B  }
0xa2: {  	_ =	swait.ge [sflag:s23], $0x1  }
0xa3: {  	[sflag:s23] =	ssyncset.done $0x0  }
0xa4: {  	s25 =	simm.s32 $0x1B8E;
	s24 =	sld [smem:$0x3FFE];
	[sflag:s23] =	ssyncadd.s32 $0xFFFFFFFF  }
0xa5: {  	s26 =	simm.s32 $execute0_lowered;
	[smem:$0x3FD2] =	sst s25  }
0xa6: {  	s5 =	sshll.u32 s26, $0x1;
	_ =	strace $0x80000046;
	[dreg:$0x1] =	wrdreg $0xFFFFFFFF  }
0xa7: {  	s28 =	simm.s32 $_size_execute0_lowered;
	s3 =	sadd.s32 s3, s5;
	[dreg:$0x0] =	wrdreg $0x0  }
0xa8: {  	s5 =	sshll.u32 s28, $0x1;
	[dreg:$0x2] =	wrdreg s3  }
0xa9: {  	[dreg:$0x3] =	wrdreg s5  }
0xaa: {  	[dreg:$0x4] =	wrdreg $0xC0  }
0xab: {  	_ =	task [dreg:s7], $0x5FFFF  }
0xac: {  	[dreg:$0x1] =	wrdreg $0xFFFFFFFF  }
0xad: {  	[dreg:$0x0] =	wrdreg $0x60  }
0xae: {  	[dreg:$0x2] =	wrdreg s24  }
0xaf: {  	[dreg:$0x3] =	wrdreg s2  }
0xb0: {  	[dreg:$0x4] =	wrdreg $0x64000  }
0xb1: {  	[dreg:$0x5] =	wrdreg $0x9  }
0xb2: {  	_ =	task.clear_ibuf [dreg:s7], $0x6FFFF;
	_ =	strace $0x90000046  }
0xb3: {  	s29 =	simm.s32 $0x9;
	_ =	strace $0x80000048  }
0xb4: {  	_ =	swait.ge [sflag:s29], $0x1  }
0xb5: {  	[sflag:s29] =	ssyncadd.s32 $0xFFFFFFFF  }
0xb6: {  	_ =	strace $0x90000048  }
0xb7: {  	_ =	sfence  }
0xb8: {  	s30 =	sld [smem:$0x0];
	_ =	sdelay $0x2  }
0xb9: {  	s31 =	sshll.u32 s1, $0xD;
	s1 =	sshrl.u32 s1, $0x2  }
0xba: {  	s3 =	sand.u32 $0x4000, s31;
	s1 =	sadd.s32 s1, s30  }
0xbb: {  	s0 =	sor.u32 s3, s0;
	s1 =	sshll.u32 s1, $0x11  }
0xbc: {  	s0 =	sor.u32 s1, s0  }
0xbd: {  	s0 =	sadd.s32 $0x8F2B, s0  }
0xbe: {  	[sflag:s0] =	ssyncadd.remote.s32 $0x1  }
0xbf: {  	_ =	sfence.sel $0xFFFF  }
0xc0: {  	[dreg:$0x0] =	wrdreg $0xFFFFFFFF;
	(pc) =	sbr.abs _section_cstart, $3  }
0xc1: {  	[dreg:$0x1] =	wrdreg $0xFFFFFFFF  }
0xc2: {  	_ =	task.clear_ibuf [dreg:s7], $0x2FFFF;
	_ =	strace $0x9FFFFFFF  }
0xc3: {  	(tm) =	ssettm $0x7FFFFFFF  }
tec
execute0_lowered:
.L_overlay_start_1:
0x0: {  	(tag) =	ssettag $0x1  }
0x1: {  	s4 =	rddreg [dreg:$0x0]  }
0x2: {  	s8 =	rddreg [dreg:$0x1]  }
0x3: {  	s1 =	rddreg [dreg:$0x2];
	s2 =	simm.s32 $0x0;
	s3 =	srdreg.scid  }
0x4: {  	s9 =	stileid.u32;
	s13 =	simm.s32 $0xB410;
	s15 =	simm.s32 $0xF410  }
0x5: {  	s16 =	simm.s32 $0x1;
	s17 =	simm.s32 $0x13410;
	s18 =	simm.s32 $0x2  }
0x6: {  	s19 =	simm.s32 $0x3;
	s20 =	simm.s32 $0x4;
	s21 =	simm.s32 $0x5  }
0x7: {  	s22 =	simm.s32 $0x6;
	s23 =	simm.s32 $0x7;
	s24 =	simm.s32 $0x8  }
0x8: {  	s7 =	sand.u32 $0x1, s3;
	s25 =	sshll.u32 s9, $0x1;
	s5 =	smul.u32 $0x190, s9  }
0x9: {  	[smem:$0x7FF] =	sst s2;
	s0 =	sadd.s32 $0x19C00, s4;
	s30 =	smul.u32 $0xC8000, s9  }
0xa: {  	p0 =	sne.s32 s9, $0x0;
	s3 =	sor.u32 s7, s25;
	s6 =	smul.u32 $0xC8, s7  }
0xb: {  	_ =	strace $0x80000047;
	s11 =	ssub.s32 $0x2, s7;
	[dreg:$0x4] =	wrdreg s0  }
0xc: {  	s31 =	smul.u32 $0x64000, s7;
	s9 =	sshrl.u32 @!p0 s1, $0x3;
	s25 =	simm.s32 $0x0  }
0xd: {  	s10 =	smul.u32 $0xC80, s3;
	s12 =	sshrl.u32 s11, $0x1;
	s5 =	sadd.s32 s6, s5  }
.Ltmp0:
0xe: {  	s26 =	ssub.s32 s11, s12;
	s11 =	simm.s32 $0x80;
	(pc) =	sbr.rel .LBB2_1-.Ltmp0, $4  }
0xf: {  	s12 =	simm.s32 $0x7410;
	s4 =	sadd.s32 s10, s4;
	s5 =	sshll.u32 s5, $0xB  }
0x10: {  	s10 =	simm.s32 $0x9;
	s28 =	sadd.s32 $0xC00, s4;
	s29 =	sadd.s32 s5, s8  }
0x11: {  	s5 =	smax.u32 s26, $0x1;
	s8 =	sadd.s32 s30, s8;
	[dreg:$0x5] =	wrdreg s28  }
0x12: {  	s6 =	sadd.s32 $0x1000, s29;
	s7 =	sadd.s32 $0x1800, s29;
	s8 =	sadd.s32 s31, s8  }
.LBB2_4:
0x13: {  	_ =	swait.ge [sflag:s21], $0x4000  }
0x14: {  	[sflag:s21] =	ssyncset.done $0x0  }
0x15: {  	[sflag:s21] =	ssyncadd.s32 $0xFFFFC000  }
0x16: {  	_ =	swait.ge [sflag:s22], $0x4000  }
0x17: {  	[sflag:s22] =	ssyncset.done $0x0  }
0x18: {  	s25 =	sadd.s32 $0x1, s25;
	[sflag:s22] =	ssyncadd.s32 $0xFFFFC000  }
0x19: {  	p1 =	sne.s32 s25, s5;
	_ =	swait.ge [sflag:s23], $0x4000  }
.Ltmp1:
0x1a: {  	[sflag:s23] =	ssyncset.done $0x0;
	(pc) =	sbr.rel @!p1 .LBB2_5-.Ltmp1, $4  }
0x1b: {  	[sflag:s23] =	ssyncadd.s32 $0xFFFFC000  }
0x1c: {  	_ =	swait.ge [sflag:s24], $0x4000  }
0x1d: {  	[sflag:s24] =	ssyncset.done $0x0  }
0x1e: {  	[sflag:s24] =	ssyncadd.s32 $0xFFFFC000  }
.LBB2_1:
0x1f: {  	s26 =	simm.s32 @!p0 $0x1C09;
	s0 =	rddreg [dreg:$0x4]  }
0x20: {  	[spmem:s9], [sflag:s26] =	dma.local @!p0 [hbm:s0], $0x2020  }
0x21: {  	s26 =	simm.s32 @!p0 $0x9  }
0x22: {  	_ =	swait.ge @!p0 [sflag:s26], $0x2020  }
0x23: {  	[sflag:s26] =	ssyncset.done @!p0 $0x0  }
0x24: {  	[sflag:s26] =	ssyncadd.s32 @!p0 $0xFFFFDFE0;
	s26 =	rddreg [dreg:$0x5]  }
0x25: {  	[tilespmem:s2], [sflag:$0x9] =	stream.linear.gather [hbm4b:s26+s2], $0x6400, $0x38;
	[tilespmem:$0x17410] =	vst v63  }
0x26: {  	_ =	swait.ge [sflag:s10], $0x6400  }
0x27: {  	[sflag:s10] =	ssyncset.done $0x0  }
0x28: {  	[sflag:s10] =	ssyncadd.s32 $0xFFFF9C00  }
0x29: {  	[bflag:$0x0] =	sbarrier.arrive $0xFFFF  }
0x2a: {  	[tilespmem:s12], [sflag:$0x1] =	stream.indirect.gather [spmem:s1], $0x80, s2, s11, $0xb8;
	[tilespmem:$0x17410] =	vst v63  }
0x2b: {  	s31 =	simm.s32 $0x100;
	s28 =	smov.u32 s7  }
0x2c: {  	[tilespmem:s13], [sflag:$0x2] =	stream.indirect.gather [spmem:s1], $0x80, s11, s11, $0xb8;
	[tilespmem:$0x17410] =	vst v63  }
0x2d: {  	s29 =	smov.u32 s6;
	s30 =	simm.s32 $0x0;
	s26 =	smov.u32 s8  }
0x2e: {  	[tilespmem:s15], [sflag:$0x3] =	stream.indirect.gather [spmem:s1], $0x80, s31, s11, $0xb8;
	[tilespmem:$0x17410] =	vst v63  }
.LBB2_2:
0x2f: {  	_ =	swait.ge [sflag:s16], $0x4000  }
0x30: {  	p1 =	seq.s32 s30, $0x0;
	[sflag:s16] =	ssyncset.done $0x0  }
0x31: {  	s0 =	simm.s32 @!p1 $0x8;
	[sflag:s16] =	ssyncadd.s32 $0xFFFFC000  }
0x32: {  	[hbm4b:s26+s2] =	stream.linear.scatter [tilespmem:s12], [sflag:$0x5], $0x4000, $0x38;
	[tilespmem:$0x17410] =	vst v63  }
0x33: {  	_ =	swait.ge @!p1 [sflag:s0], $0x4000  }
0x34: {  	s31 =	sshra.s32 s30, $0x2;
	[sflag:s0] =	ssyncset.done @!p1 $0x0  }
0x35: {  	s4 =	sadd.s32 $0x180, s31;
	[sflag:s0] =	ssyncadd.s32 @!p1 $0xFFFFC000  }
0x36: {  	[tilespmem:s17], [sflag:$0x4] =	stream.indirect.gather [spmem:s1], $0x80, s4, s11, $0xb8;
	[tilespmem:$0x17410] =	vst v63  }
0x37: {  	_ =	swait.ge [sflag:s18], $0x4000  }
0x38: {  	p1 =	seq.s32 s30, $0x18800;
	[sflag:s18] =	ssyncset.done $0x0  }
0x39: {  	s14 =	sadd.s32 $0xFFFFF000, s28;
	s0 =	simm.s32 @!p1 $0x5;
	[sflag:s18] =	ssyncadd.s32 $0xFFFFC000  }
0x3a: {  	[hbm4b:s14+s2] =	stream.linear.scatter [tilespmem:s13], [sflag:$0x6], $0x4000, $0x38;
	[tilespmem:$0x17410] =	vst v63  }
0x3b: {  	_ =	swait.ge @!p1 [sflag:s0], $0x4000  }
0x3c: {  	[sflag:s0] =	ssyncset.done @!p1 $0x0  }
0x3d: {  	[sflag:s0] =	ssyncadd.s32 @!p1 $0xFFFFC000;
	s0 =	sshra.s32 @!p1 s30, $0x2  }
0x3e: {  	s3 =	simm.s32 @!p1 $0x80;
	s4 =	simm.s32 @!p1 $0x7410;
	s14 =	sadd.s32 @!p1 $0x200, s0  }
0x3f: {  	[tilespmem:s4], [sflag:$0x1] =	stream.indirect.gather @!p1 [spmem:s1], $0x80, s14, s3, $0xb8;
	[tilespmem:$0x17410] =	vst v63  }
0x40: {  	_ =	swait.ge [sflag:s19], $0x4000  }
0x41: {  	[sflag:s19] =	ssyncset.done $0x0  }
0x42: {  	s4 =	simm.s32 @!p1 $0x6;
	[sflag:s19] =	ssyncadd.s32 $0xFFFFC000  }
0x43: {  	[hbm4b:s29+s2] =	stream.linear.scatter [tilespmem:s15], [sflag:$0x7], $0x4000, $0x38;
	[tilespmem:$0x17410] =	vst v63  }
0x44: {  	_ =	swait.ge @!p1 [sflag:s4], $0x4000  }
0x45: {  	[sflag:s4] =	ssyncset.done @!p1 $0x0  }
0x46: {  	s0 =	sadd.s32 @!p1 $0x280, s0;
	[sflag:s4] =	ssyncadd.s32 @!p1 $0xFFFFC000;
	s4 =	simm.s32 @!p1 $0xB410  }
0x47: {  	[tilespmem:s4], [sflag:$0x2] =	stream.indirect.gather @!p1 [spmem:s1], $0x80, s0, s3, $0xb8;
	[tilespmem:$0x17410] =	vst v63  }
.Ltmp2:
0x48: {  	_ = 	snop;
	(pc) =	sbr.rel @p1 .LBB2_4-.Ltmp2, $4  }
0x49: {  	_ =	swait.ge [sflag:s20], $0x4000  }
0x4a: {  	[sflag:s20] =	ssyncset.done $0x0  }
0x4b: {  	[sflag:s20] =	ssyncadd.s32 $0xFFFFC000  }
0x4c: {  	[hbm4b:s28+s2] =	stream.linear.scatter [tilespmem:s17], [sflag:$0x8], $0x4000, $0x38;
	[tilespmem:$0x17410] =	vst v63  }
.Ltmp3:
0x4d: {  	(pc) =	sbr.rel .LBB2_2-.Ltmp3, $4  }
0x4e: {  	_ =	swait.ge [sflag:s23], $0x4000;
	s0 =	sadd.s32 $0x300, s31  }
0x4f: {  	s30 =	sadd.s32 $0x800, s30;
	s29 =	sadd.s32 $0x2000, s29;
	[sflag:s23] =	ssyncset.done $0x0  }
0x50: {  	s28 =	sadd.s32 $0x2000, s28;
	s26 =	sadd.s32 $0x2000, s26;
	[sflag:s23] =	ssyncadd.s32 $0xFFFFC000  }
0x51: {  	[tilespmem:s15], [sflag:$0x3] =	stream.indirect.gather [spmem:s1], $0x80, s0, s11, $0xb8;
	[tilespmem:$0x17410] =	vst v63  }
.LBB2_5:
0x52: {  	_ =	sfence.sel $0x180000  }
0x53: {  	[bflag:$0x0] =	sbarrier.arrive $0xFFFF  }
0x54: {  	_ =	strace $0x90000047  }
0x55: {  	[bflag:$0x2] =	sbarrier.arrive $0xFFFF  }
0x56: {  	s0 =	rddreg [dreg:$0x3]  }
0x57: {  	s0 =	sadd.s32 @!p0 $0x100000, s0  }
0x58: {  	[sflag:s0] =	ssyncadd.tile.s32 @!p0 $0x1;
	_ =	shalt  }
.Lfunc_end2:
_tile_overlayer_lowered:
.L_overlay_start_2:
0x59: {  	(tag) =	ssettag $0x2  }
0x5a: {  	s0 =	rddreg [dreg:$0x0];
	s2 =	stileid.u32  }
0x5b: {  	s1 =	rddreg [dreg:$0x1];
	p0 =	sne.s32 s2, $0x0  }
0x5c: {  	s3 =	rddreg [dreg:$0x2];
	[bflag:$0x3] =	sbarrier.arrive $0xFFFF;
	s2 =	simm.s32 @!p0 $0x1C09  }
0x5d: {  	[timem:s3], [sflag:s2] =	dma.local @!p0 [hbm:s0], s1  }
0x5e: {  	s0 =	simm.s32 @!p0 $0x9  }
0x5f: {  	_ =	swait.ge @!p0 [sflag:s0], s1  }
0x60: {  	s1 =	ssub.s32 @!p0 $0x0, s1;
	[sflag:s0] =	ssyncset.done @!p0 $0x0  }
0x61: {  	[sflag:s0] =	ssyncadd.s32 @!p0 s1  }
0x62: {  	[bflag:$0x3] =	sbarrier.arrive $0xFFFF  }
0x63: {  	_ =	shalt  }

</sc_bundles>
